<compile_context>
chip_gen: v7x
topology: tpu7x:2x2x1
jax: 0.10.2.dev20260603
libtpu: 0.0.44.dev20260713+nightly
codegen_flags: <defaults>
</compile_context>

<pallas_src>
import jax
import jax.numpy as jnp
from jax.experimental import pallas as pl
from jax.experimental.pallas import tpu as pltpu

_ANCHORS = [(116.0, 90.0), (156.0, 198.0), (373.0, 326.0)]
_NG = 76
_NA = 3
_NC = 85
_NSQ = _NG * _NG
_STRIDE = 608.0 / _NG
_AW = [a * (_NG / 416.0) * _STRIDE for a, _ in _ANCHORS]
_AH = [b * (_NG / 416.0) * _STRIDE for _, b in _ANCHORS]


def _transform(xb, anchor):
    e = jnp.exp(xb)
    sig = e / (1.0 + e)

    sigh = sig[0:8]
    eh = e[0:8]
    r = jax.lax.broadcasted_iota(jnp.int32, (8, _NG, _NG), 0)
    gy = jax.lax.broadcasted_iota(jnp.int32, (8, _NG, _NG), 1).astype(jnp.float32)
    gx = jax.lax.broadcasted_iota(jnp.int32, (8, _NG, _NG), 2).astype(jnp.float32)
    spec = jnp.where(r == 0, (sigh + gx) * _STRIDE,
           jnp.where(r == 1, (sigh + gy) * _STRIDE,
           jnp.where(r == 2, eh * _AW[anchor],
           jnp.where(r == 3, eh * _AH[anchor], sigh))))
    res = jnp.concatenate([spec, sig[8:]], axis=0)
    return jnp.transpose(res.reshape(_NC, _NSQ), (1, 0))


def _body(x_hbm, o_hbm, b0, b1, b2, o0, o1, o2, in_sem, out_sem):
    n = x_hbm.shape[0]
    inb = (b0, b1, b2)
    outb = (o0, o1, o2)

    def in_cp(i, s):
        return pltpu.make_async_copy(x_hbm.at[i], inb[s], in_sem.at[s])

    def out_cp(i, s):
        return pltpu.make_async_copy(outb[s], o_hbm.at[i], out_sem.at[s])

    in_cp(0, 0).start()
    in_cp(1, 1).start()

    def step(k, carry):
        for t in range(3):
            i = 3 * k + t
            sn = (t + 2) % 3

            @pl.when(jnp.logical_and(i >= 1, i + 2 < n))
            def _():
                out_cp(i - 1, sn).wait()

            @pl.when(i + 2 < n)
            def _():
                in_cp(i + 2, sn).start()

            in_cp(i, t).wait()
            outb[t][...] = _transform(inb[t][...], t)
            out_cp(i, t).start()
        return carry

    jax.lax.fori_loop(0, n // 3, step, 0)
    for k in range(3):
        i = n - 3 + k
        out_cp(i, i % 3).wait()


def kernel(x):
    nB = x.shape[0]
    xr = x.reshape(nB * _NA, _NC, _NG, _NG)
    out = pl.pallas_call(
        _body,
        in_specs=[pl.BlockSpec(memory_space=pltpu.MemorySpace.HBM)],
        out_specs=pl.BlockSpec(memory_space=pltpu.MemorySpace.HBM),
        out_shape=jax.ShapeDtypeStruct((nB * _NA, _NSQ, _NC), jnp.float32),
        scratch_shapes=[
            pltpu.VMEM((_NC, _NG, _NG), jnp.float32),
            pltpu.VMEM((_NC, _NG, _NG), jnp.float32),
            pltpu.VMEM((_NC, _NG, _NG), jnp.float32),
            pltpu.VMEM((_NSQ, _NC), jnp.float32),
            pltpu.VMEM((_NSQ, _NC), jnp.float32),
            pltpu.VMEM((_NSQ, _NC), jnp.float32),
            pltpu.SemaphoreType.DMA((3,)),
            pltpu.SemaphoreType.DMA((3,)),
        ],
    )(xr)
    return out.reshape(nB, _NA * _NSQ, _NC)

# --- scband reference (transcript-rebuilt; emitter-appended) ---
"""Pipeline reference for scband-yololayer-78580721648177 (READ-ONLY COPY).

The authoritative reference and input builder live on the scoring server;
editing this copy changes nothing except your own understanding.
"""

import jax, jax.numpy as jnp
import numpy as np

ANCHORS = [(116.0, 90.0), (156.0, 198.0), (373.0, 326.0)]
NUM_CLASSES = 80
IMG_DIM = 608


def setup_inputs(seed: int = 0) -> dict:
    key = jax.random.key(seed)
    x = jax.random.normal(key, (32, 255, 76, 76), dtype=jnp.float32)
    return {"x": x}


def reference(x):
    nA = len(ANCHORS)
    nB = x.shape[0]
    nG = x.shape[2]
    bbox_attrs = 5 + NUM_CLASSES
    stride = IMG_DIM / nG

    prediction = x.reshape(nB, nA, bbox_attrs, nG, nG).transpose(0, 1, 3, 4, 2)

    px = jax.nn.sigmoid(prediction[..., 0])
    py = jax.nn.sigmoid(prediction[..., 1])
    w = prediction[..., 2]
    h = prediction[..., 3]
    pred_conf = jax.nn.sigmoid(prediction[..., 4])
    pred_cls = jax.nn.sigmoid(prediction[..., 5:])

    grid_x = jnp.tile(jnp.arange(nG, dtype=jnp.float32), (nG, 1)).reshape(1, 1, nG, nG)
    grid_y = jnp.tile(jnp.arange(nG, dtype=jnp.float32), (nG, 1)).T.reshape(1, 1, nG, nG)

    scaled_anchors = jnp.array(
        [(a_w / (416.0 / nG), a_h / (416.0 / nG)) for a_w, a_h in ANCHORS],
        dtype=jnp.float32,
    )
    anchor_w = scaled_anchors[:, 0:1].reshape(1, nA, 1, 1)
    anchor_h = scaled_anchors[:, 1:2].reshape(1, nA, 1, 1)

    # torch uses .data (detached) for pred_boxes -> stop_gradient
    bx = jax.lax.stop_gradient(px) + grid_x
    by = jax.lax.stop_gradient(py) + grid_y
    bw = jnp.exp(jax.lax.stop_gradient(w)) * anchor_w
    bh = jnp.exp(jax.lax.stop_gradient(h)) * anchor_h
    pred_boxes = jnp.stack([bx, by, bw, bh], axis=-1)

    output = jnp.concatenate(
        [
            pred_boxes.reshape(nB, -1, 4) * stride,
            pred_conf.reshape(nB, -1, 1),
            pred_cls.reshape(nB, -1, NUM_CLASSES),
        ],
        axis=-1,
    )
    return output

if __name__ == "__main__":
    import jax
    _d = setup_inputs()
    print(jax.jit(kernel)(*tuple(_d.values())))

</pallas_src>

<mosaic_0001>
module attributes {stable_mosaic.version = 14 : i64} {
  func.func @_body(%arg0: memref<96x85x76x76xf32, #tpu.memory_space<hbm>>, %arg1: memref<96x5776x85xf32, #tpu.memory_space<hbm>>, %arg2: memref<85x76x76xf32, #tpu.memory_space<vmem>>, %arg3: memref<85x76x76xf32, #tpu.memory_space<vmem>>, %arg4: memref<85x76x76xf32, #tpu.memory_space<vmem>>, %arg5: memref<5776x85xf32, #tpu.memory_space<vmem>>, %arg6: memref<5776x85xf32, #tpu.memory_space<vmem>>, %arg7: memref<5776x85xf32, #tpu.memory_space<vmem>>, %arg8: memref<3x!tpu.dma_semaphore, #tpu.memory_space<semaphore_mem>>, %arg9: memref<3x!tpu.dma_semaphore, #tpu.memory_space<semaphore_mem>>) attributes {dimension_semantics = [], scalar_prefetch = 0 : i64, scratch_operands = 8 : i64, tpu.core_type = #tpu.core_type<tc>} {
    %dma_start3A = arith.constant 0 : i32
    %dma_start3A_0 = arith.constant 0 : i32
    %dma_start3A_1 = tpu.memref_slice %arg8[%dma_start3A_0] : memref<3x!tpu.dma_semaphore, #tpu.memory_space<semaphore_mem>> -> memref<1x!tpu.dma_semaphore, #tpu.memory_space<semaphore_mem>>
    %dma_start3A_2 = tpu.memref_squeeze %dma_start3A_1 : memref<1x!tpu.dma_semaphore, #tpu.memory_space<semaphore_mem>> -> memref<!tpu.dma_semaphore, #tpu.memory_space<semaphore_mem>>
    %dma_start3A_3 = arith.constant 0 : i32
    %dma_start3A_4 = arith.constant 0 : i32
    %dma_start3A_5 = arith.constant 0 : i32
    %dma_start3A_6 = tpu.memref_slice %arg0[%dma_start3A, %dma_start3A_3, %dma_start3A_4, %dma_start3A_5] : memref<96x85x76x76xf32, #tpu.memory_space<hbm>> -> memref<1x85x76x76xf32, #tpu.memory_space<hbm>>
    %dma_start3A_7 = tpu.memref_squeeze %dma_start3A_6 : memref<1x85x76x76xf32, #tpu.memory_space<hbm>> -> memref<85x76x76xf32, #tpu.memory_space<hbm>>
    tpu.enqueue_dma source(%dma_start3A_7 : memref<85x76x76xf32, #tpu.memory_space<hbm>>) target(%arg2 : memref<85x76x76xf32, #tpu.memory_space<vmem>>) target_semaphore(%dma_start3A_2 : memref<!tpu.dma_semaphore, #tpu.memory_space<semaphore_mem>>)
    %dma_start3A_8 = arith.constant 1 : i32
    %dma_start3A_9 = arith.constant 1 : i32
    %dma_start3A_10 = tpu.memref_slice %arg8[%dma_start3A_9] : memref<3x!tpu.dma_semaphore, #tpu.memory_space<semaphore_mem>> -> memref<1x!tpu.dma_semaphore, #tpu.memory_space<semaphore_mem>>
    %dma_start3A_11 = tpu.memref_squeeze %dma_start3A_10 : memref<1x!tpu.dma_semaphore, #tpu.memory_space<semaphore_mem>> -> memref<!tpu.dma_semaphore, #tpu.memory_space<semaphore_mem>>
    %dma_start3A_12 = arith.constant 0 : i32
    %dma_start3A_13 = arith.constant 0 : i32
    %dma_start3A_14 = arith.constant 0 : i32
    %dma_start3A_15 = tpu.memref_slice %arg0[%dma_start3A_8, %dma_start3A_12, %dma_start3A_13, %dma_start3A_14] : memref<96x85x76x76xf32, #tpu.memory_space<hbm>> -> memref<1x85x76x76xf32, #tpu.memory_space<hbm>>
    %dma_start3A_16 = tpu.memref_squeeze %dma_start3A_15 : memref<1x85x76x76xf32, #tpu.memory_space<hbm>> -> memref<85x76x76xf32, #tpu.memory_space<hbm>>
    tpu.enqueue_dma source(%dma_start3A_16 : memref<85x76x76xf32, #tpu.memory_space<hbm>>) target(%arg3 : memref<85x76x76xf32, #tpu.memory_space<vmem>>) target_semaphore(%dma_start3A_11 : memref<!tpu.dma_semaphore, #tpu.memory_space<semaphore_mem>>)
    %scan3A = arith.constant 0 : i32
    %scan3A_17 = arith.constant 32 : i32
    %scan3A_18 = arith.addi %scan3A, %scan3A_17 : i32
    %scan3A_19 = arith.constant 1 : i32
    scf.for %scan3A_44 = %scan3A to %scan3A_18 step %scan3A_19  : i32 {
      %mul3A = arith.constant 3 : i32
      %mul3A_45 = arith.muli %mul3A, %scan3A_44 : i32
      %add3A = arith.constant 0 : i32
      %add3A_46 = arith.addi %mul3A_45, %add3A : i32
      %ge3A = arith.constant 1 : i32
      %ge3A_47 = arith.cmpi sge, %add3A_46, %ge3A : i32
      %add3A_48 = arith.constant 2 : i32
      %add3A_49 = arith.addi %add3A_46, %add3A_48 : i32
      %lt3A = arith.constant 96 : i32
      %lt3A_50 = arith.cmpi slt, %add3A_49, %lt3A : i32
      %and3A = arith.andi %ge3A_47, %lt3A_50 : i1
      %convert_element_type3A = arith.extui %and3A : i1 to i32
      %cond3A = arith.constant 0 : i32
      %cond3A_51 = arith.cmpi ne, %convert_element_type3A, %cond3A : i32
      scf.if %cond3A_51 {
        %sub3A = arith.constant 1 : i32
        %sub3A_294 = arith.subi %add3A_46, %sub3A : i32
        %dma_wait3A_295 = arith.constant 2 : i32
        %dma_wait3A_296 = tpu.memref_slice %arg9[%dma_wait3A_295] : memref<3x!tpu.dma_semaphore, #tpu.memory_space<semaphore_mem>> -> memref<1x!tpu.dma_semaphore, #tpu.memory_space<semaphore_mem>>
        %dma_wait3A_297 = tpu.memref_squeeze %dma_wait3A_296 : memref<1x!tpu.dma_semaphore, #tpu.memory_space<semaphore_mem>> -> memref<!tpu.dma_semaphore, #tpu.memory_space<semaphore_mem>>
        %dma_wait3A_298 = arith.constant 0 : i32
        %dma_wait3A_299 = arith.constant 0 : i32
        %dma_wait3A_300 = tpu.memref_slice %arg1[%sub3A_294, %dma_wait3A_298, %dma_wait3A_299] : memref<96x5776x85xf32, #tpu.memory_space<hbm>> -> memref<1x5776x85xf32, #tpu.memory_space<hbm>>
        %dma_wait3A_301 = tpu.memref_squeeze %dma_wait3A_300 : memref<1x5776x85xf32, #tpu.memory_space<hbm>> -> memref<5776x85xf32, #tpu.memory_space<hbm>>
        tpu.wait_dma2 semaphore(%dma_wait3A_297 : memref<!tpu.dma_semaphore, #tpu.memory_space<semaphore_mem>>) src(%arg7 : memref<5776x85xf32, #tpu.memory_space<vmem>>) dst(%dma_wait3A_301 : memref<5776x85xf32, #tpu.memory_space<hbm>>)
      } else {
      }
      %add3A_52 = arith.constant 2 : i32
      %add3A_53 = arith.addi %add3A_46, %add3A_52 : i32
      %lt3A_54 = arith.constant 96 : i32
      %lt3A_55 = arith.cmpi slt, %add3A_53, %lt3A_54 : i32
      %convert_element_type3A_56 = arith.extui %lt3A_55 : i1 to i32
      %cond3A_57 = arith.constant 0 : i32
      %cond3A_58 = arith.cmpi ne, %convert_element_type3A_56, %cond3A_57 : i32
      scf.if %cond3A_58 {
        %add3A_294 = arith.constant 2 : i32
        %add3A_295 = arith.addi %add3A_46, %add3A_294 : i32
        %dma_start3A_296 = arith.constant 2 : i32
        %dma_start3A_297 = tpu.memref_slice %arg8[%dma_start3A_296] : memref<3x!tpu.dma_semaphore, #tpu.memory_space<semaphore_mem>> -> memref<1x!tpu.dma_semaphore, #tpu.memory_space<semaphore_mem>>
        %dma_start3A_298 = tpu.memref_squeeze %dma_start3A_297 : memref<1x!tpu.dma_semaphore, #tpu.memory_space<semaphore_mem>> -> memref<!tpu.dma_semaphore, #tpu.memory_space<semaphore_mem>>
        %dma_start3A_299 = arith.constant 0 : i32
        %dma_start3A_300 = arith.constant 0 : i32
        %dma_start3A_301 = arith.constant 0 : i32
        %dma_start3A_302 = tpu.memref_slice %arg0[%add3A_295, %dma_start3A_299, %dma_start3A_300, %dma_start3A_301] : memref<96x85x76x76xf32, #tpu.memory_space<hbm>> -> memref<1x85x76x76xf32, #tpu.memory_space<hbm>>
        %dma_start3A_303 = tpu.memref_squeeze %dma_start3A_302 : memref<1x85x76x76xf32, #tpu.memory_space<hbm>> -> memref<85x76x76xf32, #tpu.memory_space<hbm>>
        tpu.enqueue_dma source(%dma_start3A_303 : memref<85x76x76xf32, #tpu.memory_space<hbm>>) target(%arg4 : memref<85x76x76xf32, #tpu.memory_space<vmem>>) target_semaphore(%dma_start3A_298 : memref<!tpu.dma_semaphore, #tpu.memory_space<semaphore_mem>>)
      } else {
      }
      %dma_wait3A_59 = arith.constant 0 : i32
      %dma_wait3A_60 = tpu.memref_slice %arg8[%dma_wait3A_59] : memref<3x!tpu.dma_semaphore, #tpu.memory_space<semaphore_mem>> -> memref<1x!tpu.dma_semaphore, #tpu.memory_space<semaphore_mem>>
      %dma_wait3A_61 = tpu.memref_squeeze %dma_wait3A_60 : memref<1x!tpu.dma_semaphore, #tpu.memory_space<semaphore_mem>> -> memref<!tpu.dma_semaphore, #tpu.memory_space<semaphore_mem>>
      %dma_wait3A_62 = arith.constant 0 : i32
      %dma_wait3A_63 = arith.constant 0 : i32
      %dma_wait3A_64 = arith.constant 0 : i32
      %dma_wait3A_65 = tpu.memref_slice %arg0[%add3A_46, %dma_wait3A_62, %dma_wait3A_63, %dma_wait3A_64] : memref<96x85x76x76xf32, #tpu.memory_space<hbm>> -> memref<1x85x76x76xf32, #tpu.memory_space<hbm>>
      %dma_wait3A_66 = tpu.memref_squeeze %dma_wait3A_65 : memref<1x85x76x76xf32, #tpu.memory_space<hbm>> -> memref<85x76x76xf32, #tpu.memory_space<hbm>>
      tpu.wait_dma2 semaphore(%dma_wait3A_61 : memref<!tpu.dma_semaphore, #tpu.memory_space<semaphore_mem>>) src(%dma_wait3A_66 : memref<85x76x76xf32, #tpu.memory_space<hbm>>) dst(%arg2 : memref<85x76x76xf32, #tpu.memory_space<vmem>>)
      %get3A = arith.constant 0 : index
      %get3A_67 = arith.constant 0 : index
      %get3A_68 = arith.constant 0 : index
      %get3A_69 = vector.load %arg2[%get3A, %get3A_67, %get3A_68] : memref<85x76x76xf32, #tpu.memory_space<vmem>>, vector<85x76x76xf32>
      %exp3A = math.exp %get3A_69 : vector<85x76x76xf32>
      %add3A_70 = arith.constant 1.000000e+00 : f32
      %add3A_71 = vector.broadcast %add3A_70 : f32 to vector<85x76x76xf32>
      %add3A_72 = arith.addf %add3A_71, %exp3A : vector<85x76x76xf32>
      %div3A = arith.divf %exp3A, %add3A_72 : vector<85x76x76xf32>
      %slice3A = vector.extract_strided_slice %div3A {offsets = [0, 0, 0], sizes = [8, 76, 76], strides = [1, 1, 1]} : vector<85x76x76xf32> to vector<8x76x76xf32>
      %slice3A_73 = vector.extract_strided_slice %exp3A {offsets = [0, 0, 0], sizes = [8, 76, 76], strides = [1, 1, 1]} : vector<85x76x76xf32> to vector<8x76x76xf32>
      %iota3A = tpu.iota {dimensions = array<i32: 0>} : vector<8x76x76xi32>
      %iota3A_74 = tpu.iota {dimensions = array<i32: 1>} : vector<8x76x76xi32>
      %convert_element_type3A_75 = arith.sitofp %iota3A_74 : vector<8x76x76xi32> to vector<8x76x76xf32>
      %iota3A_76 = tpu.iota {dimensions = array<i32: 2>} : vector<8x76x76xi32>
      %convert_element_type3A_77 = arith.sitofp %iota3A_76 : vector<8x76x76xi32> to vector<8x76x76xf32>
      %eq3A = arith.constant 0 : i32
      %eq3A_78 = vector.broadcast %eq3A : i32 to vector<8x76x76xi32>
      %eq3A_79 = arith.cmpi eq, %iota3A, %eq3A_78 : vector<8x76x76xi32>
      %add3A_80 = arith.addf %slice3A, %convert_element_type3A_77 : vector<8x76x76xf32>
      %mul3A_81 = arith.constant 8.000000e+00 : f32
      %mul3A_82 = vector.broadcast %mul3A_81 : f32 to vector<8x76x76xf32>
      %mul3A_83 = arith.mulf %add3A_80, %mul3A_82 : vector<8x76x76xf32>
      %eq3A_84 = arith.constant 1 : i32
      %eq3A_85 = vector.broadcast %eq3A_84 : i32 to vector<8x76x76xi32>
      %eq3A_86 = arith.cmpi eq, %iota3A, %eq3A_85 : vector<8x76x76xi32>
      %add3A_87 = arith.addf %slice3A, %convert_element_type3A_75 : vector<8x76x76xf32>
      %mul3A_88 = arith.constant 8.000000e+00 : f32
      %mul3A_89 = vector.broadcast %mul3A_88 : f32 to vector<8x76x76xf32>
      %mul3A_90 = arith.mulf %add3A_87, %mul3A_89 : vector<8x76x76xf32>
      %eq3A_91 = arith.constant 2 : i32
      %eq3A_92 = vector.broadcast %eq3A_91 : i32 to vector<8x76x76xi32>
      %eq3A_93 = arith.cmpi eq, %iota3A, %eq3A_92 : vector<8x76x76xi32>
      %mul3A_94 = arith.constant 169.538467 : f32
      %mul3A_95 = vector.broadcast %mul3A_94 : f32 to vector<8x76x76xf32>
      %mul3A_96 = arith.mulf %slice3A_73, %mul3A_95 : vector<8x76x76xf32>
      %eq3A_97 = arith.constant 3 : i32
      %eq3A_98 = vector.broadcast %eq3A_97 : i32 to vector<8x76x76xi32>
      %eq3A_99 = arith.cmpi eq, %iota3A, %eq3A_98 : vector<8x76x76xi32>
      %mul3A_100 = arith.constant 131.538467 : f32
      %mul3A_101 = vector.broadcast %mul3A_100 : f32 to vector<8x76x76xf32>
      %mul3A_102 = arith.mulf %slice3A_73, %mul3A_101 : vector<8x76x76xf32>
      %select_n3A = arith.select %eq3A_99, %mul3A_102, %slice3A : vector<8x76x76xi1>, vector<8x76x76xf32>
      %select_n3A_103 = arith.select %eq3A_93, %mul3A_96, %select_n3A : vector<8x76x76xi1>, vector<8x76x76xf32>
      %select_n3A_104 = arith.select %eq3A_86, %mul3A_90, %select_n3A_103 : vector<8x76x76xi1>, vector<8x76x76xf32>
      %select_n3A_105 = arith.select %eq3A_79, %mul3A_83, %select_n3A_104 : vector<8x76x76xi1>, vector<8x76x76xf32>
      %slice3A_106 = vector.extract_strided_slice %div3A {offsets = [8, 0, 0], sizes = [77, 76, 76], strides = [1, 1, 1]} : vector<85x76x76xf32> to vector<77x76x76xf32>
      %concatenate3A = tpu.concatenate %select_n3A_105, %slice3A_106 in 0 : vector<8x76x76xf32>, vector<77x76x76xf32> -> vector<85x76x76xf32>
      %reshape3A = vector.shape_cast %concatenate3A : vector<85x76x76xf32> to vector<85x5776xf32>
      %transpose3A = tpu.transpose %reshape3A, [1, 0] : vector<85x5776xf32> -> vector<5776x85xf32>
      %swap3A = arith.constant 0 : index
      %swap3A_107 = arith.constant 0 : index
      %swap3A_108 = vector.load %arg5[%swap3A, %swap3A_107] : memref<5776x85xf32, #tpu.memory_space<vmem>>, vector<5776x85xf32>
      tpu.vector_store %arg5[%swap3A, %swap3A_107], %transpose3A {strides = array<i32>} : memref<5776x85xf32, #tpu.memory_space<vmem>>, vector<5776x85xf32>,
      %dma_start3A_109 = arith.constant 0 : i32
      %dma_start3A_110 = tpu.memref_slice %arg9[%dma_start3A_109] : memref<3x!tpu.dma_semaphore, #tpu.memory_space<semaphore_mem>> -> memref<1x!tpu.dma_semaphore, #tpu.memory_space<semaphore_mem>>
      %dma_start3A_111 = tpu.memref_squeeze %dma_start3A_110 : memref<1x!tpu.dma_semaphore, #tpu.memory_space<semaphore_mem>> -> memref<!tpu.dma_semaphore, #tpu.memory_space<semaphore_mem>>
      %dma_start3A_112 = arith.constant 0 : i32
      %dma_start3A_113 = arith.constant 0 : i32
      %dma_start3A_114 = tpu.memref_slice %arg1[%add3A_46, %dma_start3A_112, %dma_start3A_113] : memref<96x5776x85xf32, #tpu.memory_space<hbm>> -> memref<1x5776x85xf32, #tpu.memory_space<hbm>>
      %dma_start3A_115 = tpu.memref_squeeze %dma_start3A_114 : memref<1x5776x85xf32, #tpu.memory_space<hbm>> -> memref<5776x85xf32, #tpu.memory_space<hbm>>
      tpu.enqueue_dma source(%arg5 : memref<5776x85xf32, #tpu.memory_space<vmem>>) target(%dma_start3A_115 : memref<5776x85xf32, #tpu.memory_space<hbm>>) target_semaphore(%dma_start3A_111 : memref<!tpu.dma_semaphore, #tpu.memory_space<semaphore_mem>>)
      %mul3A_116 = arith.constant 3 : i32
      %mul3A_117 = arith.muli %mul3A_116, %scan3A_44 : i32
      %add3A_118 = arith.constant 1 : i32
      %add3A_119 = arith.addi %mul3A_117, %add3A_118 : i32
      %ge3A_120 = arith.constant 1 : i32
      %ge3A_121 = arith.cmpi sge, %add3A_119, %ge3A_120 : i32
      %add3A_122 = arith.constant 2 : i32
      %add3A_123 = arith.addi %add3A_119, %add3A_122 : i32
      %lt3A_124 = arith.constant 96 : i32
      %lt3A_125 = arith.cmpi slt, %add3A_123, %lt3A_124 : i32
      %and3A_126 = arith.andi %ge3A_121, %lt3A_125 : i1
      %convert_element_type3A_127 = arith.extui %and3A_126 : i1 to i32
      %cond3A_128 = arith.constant 0 : i32
      %cond3A_129 = arith.cmpi ne, %convert_element_type3A_127, %cond3A_128 : i32
      scf.if %cond3A_129 {
        %sub3A = arith.constant 1 : i32
        %sub3A_294 = arith.subi %add3A_119, %sub3A : i32
        %dma_wait3A_295 = arith.constant 0 : i32
        %dma_wait3A_296 = tpu.memref_slice %arg9[%dma_wait3A_295] : memref<3x!tpu.dma_semaphore, #tpu.memory_space<semaphore_mem>> -> memref<1x!tpu.dma_semaphore, #tpu.memory_space<semaphore_mem>>
        %dma_wait3A_297 = tpu.memref_squeeze %dma_wait3A_296 : memref<1x!tpu.dma_semaphore, #tpu.memory_space<semaphore_mem>> -> memref<!tpu.dma_semaphore, #tpu.memory_space<semaphore_mem>>
        %dma_wait3A_298 = arith.constant 0 : i32
        %dma_wait3A_299 = arith.constant 0 : i32
        %dma_wait3A_300 = tpu.memref_slice %arg1[%sub3A_294, %dma_wait3A_298, %dma_wait3A_299] : memref<96x5776x85xf32, #tpu.memory_space<hbm>> -> memref<1x5776x85xf32, #tpu.memory_space<hbm>>
        %dma_wait3A_301 = tpu.memref_squeeze %dma_wait3A_300 : memref<1x5776x85xf32, #tpu.memory_space<hbm>> -> memref<5776x85xf32, #tpu.memory_space<hbm>>
        tpu.wait_dma2 semaphore(%dma_wait3A_297 : memref<!tpu.dma_semaphore, #tpu.memory_space<semaphore_mem>>) src(%arg5 : memref<5776x85xf32, #tpu.memory_space<vmem>>) dst(%dma_wait3A_301 : memref<5776x85xf32, #tpu.memory_space<hbm>>)
      } else {
      }
      %add3A_130 = arith.constant 2 : i32
      %add3A_131 = arith.addi %add3A_119, %add3A_130 : i32
      %lt3A_132 = arith.constant 96 : i32
      %lt3A_133 = arith.cmpi slt, %add3A_131, %lt3A_132 : i32
      %convert_element_type3A_134 = arith.extui %lt3A_133 : i1 to i32
      %cond3A_135 = arith.constant 0 : i32
      %cond3A_136 = arith.cmpi ne, %convert_element_type3A_134, %cond3A_135 : i32
      scf.if %cond3A_136 {
        %add3A_294 = arith.constant 2 : i32
        %add3A_295 = arith.addi %add3A_119, %add3A_294 : i32
        %dma_start3A_296 = arith.constant 0 : i32
        %dma_start3A_297 = tpu.memref_slice %arg8[%dma_start3A_296] : memref<3x!tpu.dma_semaphore, #tpu.memory_space<semaphore_mem>> -> memref<1x!tpu.dma_semaphore, #tpu.memory_space<semaphore_mem>>
        %dma_start3A_298 = tpu.memref_squeeze %dma_start3A_297 : memref<1x!tpu.dma_semaphore, #tpu.memory_space<semaphore_mem>> -> memref<!tpu.dma_semaphore, #tpu.memory_space<semaphore_mem>>
        %dma_start3A_299 = arith.constant 0 : i32
        %dma_start3A_300 = arith.constant 0 : i32
        %dma_start3A_301 = arith.constant 0 : i32
        %dma_start3A_302 = tpu.memref_slice %arg0[%add3A_295, %dma_start3A_299, %dma_start3A_300, %dma_start3A_301] : memref<96x85x76x76xf32, #tpu.memory_space<hbm>> -> memref<1x85x76x76xf32, #tpu.memory_space<hbm>>
        %dma_start3A_303 = tpu.memref_squeeze %dma_start3A_302 : memref<1x85x76x76xf32, #tpu.memory_space<hbm>> -> memref<85x76x76xf32, #tpu.memory_space<hbm>>
        tpu.enqueue_dma source(%dma_start3A_303 : memref<85x76x76xf32, #tpu.memory_space<hbm>>) target(%arg2 : memref<85x76x76xf32, #tpu.memory_space<vmem>>) target_semaphore(%dma_start3A_298 : memref<!tpu.dma_semaphore, #tpu.memory_space<semaphore_mem>>)
      } else {
      }
      %dma_wait3A_137 = arith.constant 1 : i32
      %dma_wait3A_138 = tpu.memref_slice %arg8[%dma_wait3A_137] : memref<3x!tpu.dma_semaphore, #tpu.memory_space<semaphore_mem>> -> memref<1x!tpu.dma_semaphore, #tpu.memory_space<semaphore_mem>>
      %dma_wait3A_139 = tpu.memref_squeeze %dma_wait3A_138 : memref<1x!tpu.dma_semaphore, #tpu.memory_space<semaphore_mem>> -> memref<!tpu.dma_semaphore, #tpu.memory_space<semaphore_mem>>
      %dma_wait3A_140 = arith.constant 0 : i32
      %dma_wait3A_141 = arith.constant 0 : i32
      %dma_wait3A_142 = arith.constant 0 : i32
      %dma_wait3A_143 = tpu.memref_slice %arg0[%add3A_119, %dma_wait3A_140, %dma_wait3A_141, %dma_wait3A_142] : memref<96x85x76x76xf32, #tpu.memory_space<hbm>> -> memref<1x85x76x76xf32, #tpu.memory_space<hbm>>
      %dma_wait3A_144 = tpu.memref_squeeze %dma_wait3A_143 : memref<1x85x76x76xf32, #tpu.memory_space<hbm>> -> memref<85x76x76xf32, #tpu.memory_space<hbm>>
      tpu.wait_dma2 semaphore(%dma_wait3A_139 : memref<!tpu.dma_semaphore, #tpu.memory_space<semaphore_mem>>) src(%dma_wait3A_144 : memref<85x76x76xf32, #tpu.memory_space<hbm>>) dst(%arg3 : memref<85x76x76xf32, #tpu.memory_space<vmem>>)
      %get3A_145 = arith.constant 0 : index
      %get3A_146 = arith.constant 0 : index
      %get3A_147 = arith.constant 0 : index
      %get3A_148 = vector.load %arg3[%get3A_145, %get3A_146, %get3A_147] : memref<85x76x76xf32, #tpu.memory_space<vmem>>, vector<85x76x76xf32>
      %exp3A_149 = math.exp %get3A_148 : vector<85x76x76xf32>
      %add3A_150 = arith.constant 1.000000e+00 : f32
      %add3A_151 = vector.broadcast %add3A_150 : f32 to vector<85x76x76xf32>
      %add3A_152 = arith.addf %add3A_151, %exp3A_149 : vector<85x76x76xf32>
      %div3A_153 = arith.divf %exp3A_149, %add3A_152 : vector<85x76x76xf32>
      %slice3A_154 = vector.extract_strided_slice %div3A_153 {offsets = [0, 0, 0], sizes = [8, 76, 76], strides = [1, 1, 1]} : vector<85x76x76xf32> to vector<8x76x76xf32>
      %slice3A_155 = vector.extract_strided_slice %exp3A_149 {offsets = [0, 0, 0], sizes = [8, 76, 76], strides = [1, 1, 1]} : vector<85x76x76xf32> to vector<8x76x76xf32>
      %iota3A_156 = tpu.iota {dimensions = array<i32: 0>} : vector<8x76x76xi32>
      %iota3A_157 = tpu.iota {dimensions = array<i32: 1>} : vector<8x76x76xi32>
      %convert_element_type3A_158 = arith.sitofp %iota3A_157 : vector<8x76x76xi32> to vector<8x76x76xf32>
      %iota3A_159 = tpu.iota {dimensions = array<i32: 2>} : vector<8x76x76xi32>
      %convert_element_type3A_160 = arith.sitofp %iota3A_159 : vector<8x76x76xi32> to vector<8x76x76xf32>
      %eq3A_161 = arith.constant 0 : i32
      %eq3A_162 = vector.broadcast %eq3A_161 : i32 to vector<8x76x76xi32>
      %eq3A_163 = arith.cmpi eq, %iota3A_156, %eq3A_162 : vector<8x76x76xi32>
      %add3A_164 = arith.addf %slice3A_154, %convert_element_type3A_160 : vector<8x76x76xf32>
      %mul3A_165 = arith.constant 8.000000e+00 : f32
      %mul3A_166 = vector.broadcast %mul3A_165 : f32 to vector<8x76x76xf32>
      %mul3A_167 = arith.mulf %add3A_164, %mul3A_166 : vector<8x76x76xf32>
      %eq3A_168 = arith.constant 1 : i32
      %eq3A_169 = vector.broadcast %eq3A_168 : i32 to vector<8x76x76xi32>
      %eq3A_170 = arith.cmpi eq, %iota3A_156, %eq3A_169 : vector<8x76x76xi32>
      %add3A_171 = arith.addf %slice3A_154, %convert_element_type3A_158 : vector<8x76x76xf32>
      %mul3A_172 = arith.constant 8.000000e+00 : f32
      %mul3A_173 = vector.broadcast %mul3A_172 : f32 to vector<8x76x76xf32>
      %mul3A_174 = arith.mulf %add3A_171, %mul3A_173 : vector<8x76x76xf32>
      %eq3A_175 = arith.constant 2 : i32
      %eq3A_176 = vector.broadcast %eq3A_175 : i32 to vector<8x76x76xi32>
      %eq3A_177 = arith.cmpi eq, %iota3A_156, %eq3A_176 : vector<8x76x76xi32>
      %mul3A_178 = arith.constant 2.280000e+02 : f32
      %mul3A_179 = vector.broadcast %mul3A_178 : f32 to vector<8x76x76xf32>
      %mul3A_180 = arith.mulf %slice3A_155, %mul3A_179 : vector<8x76x76xf32>
      %eq3A_181 = arith.constant 3 : i32
      %eq3A_182 = vector.broadcast %eq3A_181 : i32 to vector<8x76x76xi32>
      %eq3A_183 = arith.cmpi eq, %iota3A_156, %eq3A_182 : vector<8x76x76xi32>
      %mul3A_184 = arith.constant 289.384613 : f32
      %mul3A_185 = vector.broadcast %mul3A_184 : f32 to vector<8x76x76xf32>
      %mul3A_186 = arith.mulf %slice3A_155, %mul3A_185 : vector<8x76x76xf32>
      %select_n3A_187 = arith.select %eq3A_183, %mul3A_186, %slice3A_154 : vector<8x76x76xi1>, vector<8x76x76xf32>
      %select_n3A_188 = arith.select %eq3A_177, %mul3A_180, %select_n3A_187 : vector<8x76x76xi1>, vector<8x76x76xf32>
      %select_n3A_189 = arith.select %eq3A_170, %mul3A_174, %select_n3A_188 : vector<8x76x76xi1>, vector<8x76x76xf32>
      %select_n3A_190 = arith.select %eq3A_163, %mul3A_167, %select_n3A_189 : vector<8x76x76xi1>, vector<8x76x76xf32>
      %slice3A_191 = vector.extract_strided_slice %div3A_153 {offsets = [8, 0, 0], sizes = [77, 76, 76], strides = [1, 1, 1]} : vector<85x76x76xf32> to vector<77x76x76xf32>
      %concatenate3A_192 = tpu.concatenate %select_n3A_190, %slice3A_191 in 0 : vector<8x76x76xf32>, vector<77x76x76xf32> -> vector<85x76x76xf32>
      %reshape3A_193 = vector.shape_cast %concatenate3A_192 : vector<85x76x76xf32> to vector<85x5776xf32>
      %transpose3A_194 = tpu.transpose %reshape3A_193, [1, 0] : vector<85x5776xf32> -> vector<5776x85xf32>
      %swap3A_195 = arith.constant 0 : index
      %swap3A_196 = arith.constant 0 : index
      %swap3A_197 = vector.load %arg6[%swap3A_195, %swap3A_196] : memref<5776x85xf32, #tpu.memory_space<vmem>>, vector<5776x85xf32>
      tpu.vector_store %arg6[%swap3A_195, %swap3A_196], %transpose3A_194 {strides = array<i32>} : memref<5776x85xf32, #tpu.memory_space<vmem>>, vector<5776x85xf32>,
      %dma_start3A_198 = arith.constant 1 : i32
      %dma_start3A_199 = tpu.memref_slice %arg9[%dma_start3A_198] : memref<3x!tpu.dma_semaphore, #tpu.memory_space<semaphore_mem>> -> memref<1x!tpu.dma_semaphore, #tpu.memory_space<semaphore_mem>>
      %dma_start3A_200 = tpu.memref_squeeze %dma_start3A_199 : memref<1x!tpu.dma_semaphore, #tpu.memory_space<semaphore_mem>> -> memref<!tpu.dma_semaphore, #tpu.memory_space<semaphore_mem>>
      %dma_start3A_201 = arith.constant 0 : i32
      %dma_start3A_202 = arith.constant 0 : i32
      %dma_start3A_203 = tpu.memref_slice %arg1[%add3A_119, %dma_start3A_201, %dma_start3A_202] : memref<96x5776x85xf32, #tpu.memory_space<hbm>> -> memref<1x5776x85xf32, #tpu.memory_space<hbm>>
      %dma_start3A_204 = tpu.memref_squeeze %dma_start3A_203 : memref<1x5776x85xf32, #tpu.memory_space<hbm>> -> memref<5776x85xf32, #tpu.memory_space<hbm>>
      tpu.enqueue_dma source(%arg6 : memref<5776x85xf32, #tpu.memory_space<vmem>>) target(%dma_start3A_204 : memref<5776x85xf32, #tpu.memory_space<hbm>>) target_semaphore(%dma_start3A_200 : memref<!tpu.dma_semaphore, #tpu.memory_space<semaphore_mem>>)
      %mul3A_205 = arith.constant 3 : i32
      %mul3A_206 = arith.muli %mul3A_205, %scan3A_44 : i32
      %add3A_207 = arith.constant 2 : i32
      %add3A_208 = arith.addi %mul3A_206, %add3A_207 : i32
      %ge3A_209 = arith.constant 1 : i32
      %ge3A_210 = arith.cmpi sge, %add3A_208, %ge3A_209 : i32
      %add3A_211 = arith.constant 2 : i32
      %add3A_212 = arith.addi %add3A_208, %add3A_211 : i32
      %lt3A_213 = arith.constant 96 : i32
      %lt3A_214 = arith.cmpi slt, %add3A_212, %lt3A_213 : i32
      %and3A_215 = arith.andi %ge3A_210, %lt3A_214 : i1
      %convert_element_type3A_216 = arith.extui %and3A_215 : i1 to i32
      %cond3A_217 = arith.constant 0 : i32
      %cond3A_218 = arith.cmpi ne, %convert_element_type3A_216, %cond3A_217 : i32
      scf.if %cond3A_218 {
        %sub3A = arith.constant 1 : i32
        %sub3A_294 = arith.subi %add3A_208, %sub3A : i32
        %dma_wait3A_295 = arith.constant 1 : i32
        %dma_wait3A_296 = tpu.memref_slice %arg9[%dma_wait3A_295] : memref<3x!tpu.dma_semaphore, #tpu.memory_space<semaphore_mem>> -> memref<1x!tpu.dma_semaphore, #tpu.memory_space<semaphore_mem>>
        %dma_wait3A_297 = tpu.memref_squeeze %dma_wait3A_296 : memref<1x!tpu.dma_semaphore, #tpu.memory_space<semaphore_mem>> -> memref<!tpu.dma_semaphore, #tpu.memory_space<semaphore_mem>>
        %dma_wait3A_298 = arith.constant 0 : i32
        %dma_wait3A_299 = arith.constant 0 : i32
        %dma_wait3A_300 = tpu.memref_slice %arg1[%sub3A_294, %dma_wait3A_298, %dma_wait3A_299] : memref<96x5776x85xf32, #tpu.memory_space<hbm>> -> memref<1x5776x85xf32, #tpu.memory_space<hbm>>
        %dma_wait3A_301 = tpu.memref_squeeze %dma_wait3A_300 : memref<1x5776x85xf32, #tpu.memory_space<hbm>> -> memref<5776x85xf32, #tpu.memory_space<hbm>>
        tpu.wait_dma2 semaphore(%dma_wait3A_297 : memref<!tpu.dma_semaphore, #tpu.memory_space<semaphore_mem>>) src(%arg6 : memref<5776x85xf32, #tpu.memory_space<vmem>>) dst(%dma_wait3A_301 : memref<5776x85xf32, #tpu.memory_space<hbm>>)
      } else {
      }
      %add3A_219 = arith.constant 2 : i32
      %add3A_220 = arith.addi %add3A_208, %add3A_219 : i32
      %lt3A_221 = arith.constant 96 : i32
      %lt3A_222 = arith.cmpi slt, %add3A_220, %lt3A_221 : i32
      %convert_element_type3A_223 = arith.extui %lt3A_222 : i1 to i32
      %cond3A_224 = arith.constant 0 : i32
      %cond3A_225 = arith.cmpi ne, %convert_element_type3A_223, %cond3A_224 : i32
      scf.if %cond3A_225 {
        %add3A_294 = arith.constant 2 : i32
        %add3A_295 = arith.addi %add3A_208, %add3A_294 : i32
        %dma_start3A_296 = arith.constant 1 : i32
        %dma_start3A_297 = tpu.memref_slice %arg8[%dma_start3A_296] : memref<3x!tpu.dma_semaphore, #tpu.memory_space<semaphore_mem>> -> memref<1x!tpu.dma_semaphore, #tpu.memory_space<semaphore_mem>>
        %dma_start3A_298 = tpu.memref_squeeze %dma_start3A_297 : memref<1x!tpu.dma_semaphore, #tpu.memory_space<semaphore_mem>> -> memref<!tpu.dma_semaphore, #tpu.memory_space<semaphore_mem>>
        %dma_start3A_299 = arith.constant 0 : i32
        %dma_start3A_300 = arith.constant 0 : i32
        %dma_start3A_301 = arith.constant 0 : i32
        %dma_start3A_302 = tpu.memref_slice %arg0[%add3A_295, %dma_start3A_299, %dma_start3A_300, %dma_start3A_301] : memref<96x85x76x76xf32, #tpu.memory_space<hbm>> -> memref<1x85x76x76xf32, #tpu.memory_space<hbm>>
        %dma_start3A_303 = tpu.memref_squeeze %dma_start3A_302 : memref<1x85x76x76xf32, #tpu.memory_space<hbm>> -> memref<85x76x76xf32, #tpu.memory_space<hbm>>
        tpu.enqueue_dma source(%dma_start3A_303 : memref<85x76x76xf32, #tpu.memory_space<hbm>>) target(%arg3 : memref<85x76x76xf32, #tpu.memory_space<vmem>>) target_semaphore(%dma_start3A_298 : memref<!tpu.dma_semaphore, #tpu.memory_space<semaphore_mem>>)
      } else {
      }
      %dma_wait3A_226 = arith.constant 2 : i32
      %dma_wait3A_227 = tpu.memref_slice %arg8[%dma_wait3A_226] : memref<3x!tpu.dma_semaphore, #tpu.memory_space<semaphore_mem>> -> memref<1x!tpu.dma_semaphore, #tpu.memory_space<semaphore_mem>>
      %dma_wait3A_228 = tpu.memref_squeeze %dma_wait3A_227 : memref<1x!tpu.dma_semaphore, #tpu.memory_space<semaphore_mem>> -> memref<!tpu.dma_semaphore, #tpu.memory_space<semaphore_mem>>
      %dma_wait3A_229 = arith.constant 0 : i32
      %dma_wait3A_230 = arith.constant 0 : i32
      %dma_wait3A_231 = arith.constant 0 : i32
      %dma_wait3A_232 = tpu.memref_slice %arg0[%add3A_208, %dma_wait3A_229, %dma_wait3A_230, %dma_wait3A_231] : memref<96x85x76x76xf32, #tpu.memory_space<hbm>> -> memref<1x85x76x76xf32, #tpu.memory_space<hbm>>
      %dma_wait3A_233 = tpu.memref_squeeze %dma_wait3A_232 : memref<1x85x76x76xf32, #tpu.memory_space<hbm>> -> memref<85x76x76xf32, #tpu.memory_space<hbm>>
      tpu.wait_dma2 semaphore(%dma_wait3A_228 : memref<!tpu.dma_semaphore, #tpu.memory_space<semaphore_mem>>) src(%dma_wait3A_233 : memref<85x76x76xf32, #tpu.memory_space<hbm>>) dst(%arg4 : memref<85x76x76xf32, #tpu.memory_space<vmem>>)
      %get3A_234 = arith.constant 0 : index
      %get3A_235 = arith.constant 0 : index
      %get3A_236 = arith.constant 0 : index
      %get3A_237 = vector.load %arg4[%get3A_234, %get3A_235, %get3A_236] : memref<85x76x76xf32, #tpu.memory_space<vmem>>, vector<85x76x76xf32>
      %exp3A_238 = math.exp %get3A_237 : vector<85x76x76xf32>
      %add3A_239 = arith.constant 1.000000e+00 : f32
      %add3A_240 = vector.broadcast %add3A_239 : f32 to vector<85x76x76xf32>
      %add3A_241 = arith.addf %add3A_240, %exp3A_238 : vector<85x76x76xf32>
      %div3A_242 = arith.divf %exp3A_238, %add3A_241 : vector<85x76x76xf32>
      %slice3A_243 = vector.extract_strided_slice %div3A_242 {offsets = [0, 0, 0], sizes = [8, 76, 76], strides = [1, 1, 1]} : vector<85x76x76xf32> to vector<8x76x76xf32>
      %slice3A_244 = vector.extract_strided_slice %exp3A_238 {offsets = [0, 0, 0], sizes = [8, 76, 76], strides = [1, 1, 1]} : vector<85x76x76xf32> to vector<8x76x76xf32>
      %iota3A_245 = tpu.iota {dimensions = array<i32: 0>} : vector<8x76x76xi32>
      %iota3A_246 = tpu.iota {dimensions = array<i32: 1>} : vector<8x76x76xi32>
      %convert_element_type3A_247 = arith.sitofp %iota3A_246 : vector<8x76x76xi32> to vector<8x76x76xf32>
      %iota3A_248 = tpu.iota {dimensions = array<i32: 2>} : vector<8x76x76xi32>
      %convert_element_type3A_249 = arith.sitofp %iota3A_248 : vector<8x76x76xi32> to vector<8x76x76xf32>
      %eq3A_250 = arith.constant 0 : i32
      %eq3A_251 = vector.broadcast %eq3A_250 : i32 to vector<8x76x76xi32>
      %eq3A_252 = arith.cmpi eq, %iota3A_245, %eq3A_251 : vector<8x76x76xi32>
      %add3A_253 = arith.addf %slice3A_243, %convert_element_type3A_249 : vector<8x76x76xf32>
      %mul3A_254 = arith.constant 8.000000e+00 : f32
      %mul3A_255 = vector.broadcast %mul3A_254 : f32 to vector<8x76x76xf32>
      %mul3A_256 = arith.mulf %add3A_253, %mul3A_255 : vector<8x76x76xf32>
      %eq3A_257 = arith.constant 1 : i32
      %eq3A_258 = vector.broadcast %eq3A_257 : i32 to vector<8x76x76xi32>
      %eq3A_259 = arith.cmpi eq, %iota3A_245, %eq3A_258 : vector<8x76x76xi32>
      %add3A_260 = arith.addf %slice3A_243, %convert_element_type3A_247 : vector<8x76x76xf32>
      %mul3A_261 = arith.constant 8.000000e+00 : f32
      %mul3A_262 = vector.broadcast %mul3A_261 : f32 to vector<8x76x76xf32>
      %mul3A_263 = arith.mulf %add3A_260, %mul3A_262 : vector<8x76x76xf32>
      %eq3A_264 = arith.constant 2 : i32
      %eq3A_265 = vector.broadcast %eq3A_264 : i32 to vector<8x76x76xi32>
      %eq3A_266 = arith.cmpi eq, %iota3A_245, %eq3A_265 : vector<8x76x76xi32>
      %mul3A_267 = arith.constant 545.15387 : f32
      %mul3A_268 = vector.broadcast %mul3A_267 : f32 to vector<8x76x76xf32>
      %mul3A_269 = arith.mulf %slice3A_244, %mul3A_268 : vector<8x76x76xf32>
      %eq3A_270 = arith.constant 3 : i32
      %eq3A_271 = vector.broadcast %eq3A_270 : i32 to vector<8x76x76xi32>
      %eq3A_272 = arith.cmpi eq, %iota3A_245, %eq3A_271 : vector<8x76x76xi32>
      %mul3A_273 = arith.constant 476.461548 : f32
      %mul3A_274 = vector.broadcast %mul3A_273 : f32 to vector<8x76x76xf32>
      %mul3A_275 = arith.mulf %slice3A_244, %mul3A_274 : vector<8x76x76xf32>
      %select_n3A_276 = arith.select %eq3A_272, %mul3A_275, %slice3A_243 : vector<8x76x76xi1>, vector<8x76x76xf32>
      %select_n3A_277 = arith.select %eq3A_266, %mul3A_269, %select_n3A_276 : vector<8x76x76xi1>, vector<8x76x76xf32>
      %select_n3A_278 = arith.select %eq3A_259, %mul3A_263, %select_n3A_277 : vector<8x76x76xi1>, vector<8x76x76xf32>
      %select_n3A_279 = arith.select %eq3A_252, %mul3A_256, %select_n3A_278 : vector<8x76x76xi1>, vector<8x76x76xf32>
      %slice3A_280 = vector.extract_strided_slice %div3A_242 {offsets = [8, 0, 0], sizes = [77, 76, 76], strides = [1, 1, 1]} : vector<85x76x76xf32> to vector<77x76x76xf32>
      %concatenate3A_281 = tpu.concatenate %select_n3A_279, %slice3A_280 in 0 : vector<8x76x76xf32>, vector<77x76x76xf32> -> vector<85x76x76xf32>
      %reshape3A_282 = vector.shape_cast %concatenate3A_281 : vector<85x76x76xf32> to vector<85x5776xf32>
      %transpose3A_283 = tpu.transpose %reshape3A_282, [1, 0] : vector<85x5776xf32> -> vector<5776x85xf32>
      %swap3A_284 = arith.constant 0 : index
      %swap3A_285 = arith.constant 0 : index
      %swap3A_286 = vector.load %arg7[%swap3A_284, %swap3A_285] : memref<5776x85xf32, #tpu.memory_space<vmem>>, vector<5776x85xf32>
      tpu.vector_store %arg7[%swap3A_284, %swap3A_285], %transpose3A_283 {strides = array<i32>} : memref<5776x85xf32, #tpu.memory_space<vmem>>, vector<5776x85xf32>,
      %dma_start3A_287 = arith.constant 2 : i32
      %dma_start3A_288 = tpu.memref_slice %arg9[%dma_start3A_287] : memref<3x!tpu.dma_semaphore, #tpu.memory_space<semaphore_mem>> -> memref<1x!tpu.dma_semaphore, #tpu.memory_space<semaphore_mem>>
      %dma_start3A_289 = tpu.memref_squeeze %dma_start3A_288 : memref<1x!tpu.dma_semaphore, #tpu.memory_space<semaphore_mem>> -> memref<!tpu.dma_semaphore, #tpu.memory_space<semaphore_mem>>
      %dma_start3A_290 = arith.constant 0 : i32
      %dma_start3A_291 = arith.constant 0 : i32
      %dma_start3A_292 = tpu.memref_slice %arg1[%add3A_208, %dma_start3A_290, %dma_start3A_291] : memref<96x5776x85xf32, #tpu.memory_space<hbm>> -> memref<1x5776x85xf32, #tpu.memory_space<hbm>>
      %dma_start3A_293 = tpu.memref_squeeze %dma_start3A_292 : memref<1x5776x85xf32, #tpu.memory_space<hbm>> -> memref<5776x85xf32, #tpu.memory_space<hbm>>
      tpu.enqueue_dma source(%arg7 : memref<5776x85xf32, #tpu.memory_space<vmem>>) target(%dma_start3A_293 : memref<5776x85xf32, #tpu.memory_space<hbm>>) target_semaphore(%dma_start3A_289 : memref<!tpu.dma_semaphore, #tpu.memory_space<semaphore_mem>>)
    }
    %scan3A_20 = arith.constant 32 : i32
    %dma_wait3A = arith.constant 93 : i32
    %dma_wait3A_21 = arith.constant 0 : i32
    %dma_wait3A_22 = tpu.memref_slice %arg9[%dma_wait3A_21] : memref<3x!tpu.dma_semaphore, #tpu.memory_space<semaphore_mem>> -> memref<1x!tpu.dma_semaphore, #tpu.memory_space<semaphore_mem>>
    %dma_wait3A_23 = tpu.memref_squeeze %dma_wait3A_22 : memref<1x!tpu.dma_semaphore, #tpu.memory_space<semaphore_mem>> -> memref<!tpu.dma_semaphore, #tpu.memory_space<semaphore_mem>>
    %dma_wait3A_24 = arith.constant 0 : i32
    %dma_wait3A_25 = arith.constant 0 : i32
    %dma_wait3A_26 = tpu.memref_slice %arg1[%dma_wait3A, %dma_wait3A_24, %dma_wait3A_25] : memref<96x5776x85xf32, #tpu.memory_space<hbm>> -> memref<1x5776x85xf32, #tpu.memory_space<hbm>>
    %dma_wait3A_27 = tpu.memref_squeeze %dma_wait3A_26 : memref<1x5776x85xf32, #tpu.memory_space<hbm>> -> memref<5776x85xf32, #tpu.memory_space<hbm>>
    tpu.wait_dma2 semaphore(%dma_wait3A_23 : memref<!tpu.dma_semaphore, #tpu.memory_space<semaphore_mem>>) src(%arg5 : memref<5776x85xf32, #tpu.memory_space<vmem>>) dst(%dma_wait3A_27 : memref<5776x85xf32, #tpu.memory_space<hbm>>)
    %dma_wait3A_28 = arith.constant 94 : i32
    %dma_wait3A_29 = arith.constant 1 : i32
    %dma_wait3A_30 = tpu.memref_slice %arg9[%dma_wait3A_29] : memref<3x!tpu.dma_semaphore, #tpu.memory_space<semaphore_mem>> -> memref<1x!tpu.dma_semaphore, #tpu.memory_space<semaphore_mem>>
    %dma_wait3A_31 = tpu.memref_squeeze %dma_wait3A_30 : memref<1x!tpu.dma_semaphore, #tpu.memory_space<semaphore_mem>> -> memref<!tpu.dma_semaphore, #tpu.memory_space<semaphore_mem>>
    %dma_wait3A_32 = arith.constant 0 : i32
    %dma_wait3A_33 = arith.constant 0 : i32
    %dma_wait3A_34 = tpu.memref_slice %arg1[%dma_wait3A_28, %dma_wait3A_32, %dma_wait3A_33] : memref<96x5776x85xf32, #tpu.memory_space<hbm>> -> memref<1x5776x85xf32, #tpu.memory_space<hbm>>
    %dma_wait3A_35 = tpu.memref_squeeze %dma_wait3A_34 : memref<1x5776x85xf32, #tpu.memory_space<hbm>> -> memref<5776x85xf32, #tpu.memory_space<hbm>>
    tpu.wait_dma2 semaphore(%dma_wait3A_31 : memref<!tpu.dma_semaphore, #tpu.memory_space<semaphore_mem>>) src(%arg6 : memref<5776x85xf32, #tpu.memory_space<vmem>>) dst(%dma_wait3A_35 : memref<5776x85xf32, #tpu.memory_space<hbm>>)
    %dma_wait3A_36 = arith.constant 95 : i32
    %dma_wait3A_37 = arith.constant 2 : i32
    %dma_wait3A_38 = tpu.memref_slice %arg9[%dma_wait3A_37] : memref<3x!tpu.dma_semaphore, #tpu.memory_space<semaphore_mem>> -> memref<1x!tpu.dma_semaphore, #tpu.memory_space<semaphore_mem>>
    %dma_wait3A_39 = tpu.memref_squeeze %dma_wait3A_38 : memref<1x!tpu.dma_semaphore, #tpu.memory_space<semaphore_mem>> -> memref<!tpu.dma_semaphore, #tpu.memory_space<semaphore_mem>>
    %dma_wait3A_40 = arith.constant 0 : i32
    %dma_wait3A_41 = arith.constant 0 : i32
    %dma_wait3A_42 = tpu.memref_slice %arg1[%dma_wait3A_36, %dma_wait3A_40, %dma_wait3A_41] : memref<96x5776x85xf32, #tpu.memory_space<hbm>> -> memref<1x5776x85xf32, #tpu.memory_space<hbm>>
    %dma_wait3A_43 = tpu.memref_squeeze %dma_wait3A_42 : memref<1x5776x85xf32, #tpu.memory_space<hbm>> -> memref<5776x85xf32, #tpu.memory_space<hbm>>
    tpu.wait_dma2 semaphore(%dma_wait3A_39 : memref<!tpu.dma_semaphore, #tpu.memory_space<semaphore_mem>>) src(%arg7 : memref<5776x85xf32, #tpu.memory_space<vmem>>) dst(%dma_wait3A_43 : memref<5776x85xf32, #tpu.memory_space<hbm>>)
    return
  }
}

</mosaic_0001>

<sc_bundles>
// kernel: sparse-core-data-format-call.cloned.1.call-start
scs
called_computation_lowered:
.L_overlay_start_0:
0x0: {  	s2 =	sld [smem:$0x3FD9]  }
0x1: {  	s3 =	sld [smem:$0x3FFE];
	_ =	sdelay $0x1  }
0x2: {  	s1 =	srdreg.scid  }
0x3: {  	s0 =	sand.u32 $0x1, s1  }
0x4: {  	s18 =	sshll.u32 s0, $0xA;
	s2 =	sadd.s32 s3, s2  }
0x5: {  	s2 =	sadd.s32 s2, s18  }
0x6: {  	[smem:$0x3FC7] =	sst s2  }
0x7: {  	_ = 	snop  }
0x8: {  	s2 =	sld [smem:$0x3FD0];
	(tm) =	ssettm $0x1  }
0x9: {  	s19 =	sld [smem:$0x3FFB];
	_ =	sdelay $0x3  }
0xa: {  	_ =	strace s19  }
0xb: {  	s3 =	sld [smem:$0x3FFC];
	_ =	sdelay $0x3  }
0xc: {  	_ =	strace s3  }
0xd: {  	s3 =	sld [smem:$0x3FFD];
	_ =	sdelay $0x3  }
0xe: {  	_ =	strace s3  }
0xf: {  	_ =	strace $0x8FFFFFFF  }
0x10: {  	s20 =	sld [smem:$0x3FDB];
	_ =	sdelay $0x1  }
0x11: {  	s4 =	simm.s32 $_scs_section_size  }
0x12: {  	s5 =	simm.s32 $_size__tile_overlayer_lowered;
	s6 =	simm.s32 $_tile_overlayer_lowered  }
0x13: {  	s23 =	simm.s32 $0x1BFF;
	s22 =	sshll.u32 s6, $0x1;
	s3 =	sadd.s32 s4, s20  }
0x14: {  	s7 =	simm.s32 $0x0;
	s21 =	sshll.u32 s5, $0x1;
	s5 =	sadd.s32 s22, s3  }
0x15: {  	[timem:s7], [sflag:s23] =	dma.local [hbm:s5], s21  }
0x16: {  	_ =	swait.ge [sflag:s23], s21  }
0x17: {  	s4 =	ssub.s32 $0x0, s21;
	[sflag:s23] =	ssyncset.done $0x0  }
0x18: {  	[sflag:s23] =	ssyncadd.s32 s4;
	_ =	sdelay $0x1  }
0x19: {  	s24 =	simm.s32 $0x1B8B  }
0x1a: {  	_ =	swait.ge [sflag:s24], $0x1  }
0x1b: {  	[sflag:s24] =	ssyncset.done $0x0  }
0x1c: {  	s26 =	simm.s32 $0x1B8E;
	s25 =	sld [smem:$0x3FFE];
	[sflag:s24] =	ssyncadd.s32 $0xFFFFFFFF  }
0x1d: {  	s27 =	simm.s32 $execute0_lowered;
	[smem:$0x3FD2] =	sst s26  }
0x1e: {  	s5 =	sshll.u32 s27, $0x1;
	_ =	strace $0x80000046;
	[dreg:$0x1] =	wrdreg $0xFFFFFFFF  }
0x1f: {  	s28 =	simm.s32 $_size_execute0_lowered;
	s3 =	sadd.s32 s3, s5;
	[dreg:$0x0] =	wrdreg $0x0  }
0x20: {  	s5 =	sshll.u32 s28, $0x1;
	[dreg:$0x2] =	wrdreg s3  }
0x21: {  	[dreg:$0x3] =	wrdreg s5  }
0x22: {  	[dreg:$0x4] =	wrdreg $0xC0  }
0x23: {  	_ =	task [dreg:s7], $0x5FFFF  }
0x24: {  	[dreg:$0x1] =	wrdreg $0xFFFFFFFF  }
0x25: {  	[dreg:$0x0] =	wrdreg $0x60  }
0x26: {  	[dreg:$0x2] =	wrdreg s25  }
0x27: {  	[dreg:$0x3] =	wrdreg s2  }
0x28: {  	[dreg:$0x4] =	wrdreg $0x9  }
0x29: {  	_ =	task.clear_ibuf [dreg:s7], $0x5FFFF;
	_ =	strace $0x90000046  }
0x2a: {  	s29 =	simm.s32 $0x9;
	_ =	strace $0x80000048  }
0x2b: {  	_ =	swait.ge [sflag:s29], $0x1  }
0x2c: {  	[sflag:s29] =	ssyncadd.s32 $0xFFFFFFFF  }
0x2d: {  	_ =	strace $0x90000048  }
0x2e: {  	_ =	sfence  }
0x2f: {  	s30 =	sld [smem:$0x0];
	_ =	sdelay $0x2  }
0x30: {  	s31 =	sshll.u32 s1, $0xD;
	s1 =	sshrl.u32 s1, $0x2  }
0x31: {  	s3 =	sand.u32 $0x4000, s31;
	s1 =	sadd.s32 s1, s30  }
0x32: {  	s0 =	sor.u32 s3, s0;
	s1 =	sshll.u32 s1, $0x11  }
0x33: {  	s0 =	sor.u32 s1, s0  }
0x34: {  	s0 =	sadd.s32 $0x8F2B, s0  }
0x35: {  	[sflag:s0] =	ssyncadd.remote.s32 $0x1  }
0x36: {  	_ =	sfence.sel $0xFFFF  }
0x37: {  	[dreg:$0x0] =	wrdreg $0xFFFFFFFF;
	(pc) =	sbr.abs _section_cstart, $3  }
0x38: {  	[dreg:$0x1] =	wrdreg $0xFFFFFFFF  }
0x39: {  	_ =	task.clear_ibuf [dreg:s7], $0x2FFFF;
	_ =	strace $0x9FFFFFFF  }
0x3a: {  	(tm) =	ssettm $0x7FFFFFFF  }
0x3b: {  	_ =	shalt  }
tec
execute0_lowered:
.L_overlay_start_1:
0x0: {  	(tag) =	ssettag $0x1  }
0x1: {  	s0 =	rddreg [dreg:$0x0];
	_ =	strace $0x80000047;
	s31 =	srdreg.scid  }
0x2: {  	s2 =	stileid.u32;
	s4 =	simm.s32 $0x1;
	s1 =	simm.s32 $0x2  }
.Ltmp0:
0x3: {  	s12 =	simm.s32 $0x0;
	s13 =	simm.s32 $0x0;
	(pc) =	sbr.rel .LBB1_1-.Ltmp0, $4  }
0x4: {  	s8 =	simm.s32 $0x0;
	s3 =	sadd.s32 $0x9F6400, s0;
	s0 =	sshll.u32 s31, $0x4  }
0x5: {  	s10 =	simm.s32 $0x0;
	s9 =	simm.s32 $0x0;
	s0 =	sand.u32 $0x10, s0  }
0x6: {  	s7 =	simm.s32 $0x0;
	[sflag:s4] =	ssyncpa.u1 $0x0;
	s5 =	sor.u32 s2, s0  }
0x7: {  	s21 =	simm.s32 $0x0;
	[sflag:s1] =	ssyncpa.u1 $0x0;
	s11 =	smov.u32 s5  }
.LBB1_11:
0x8: {  	s0 =	sshrl.u32 s10, $0x3;
	s1 =	sshll.u32 s8, $0x3  }
0x9: {  	s2 =	sshll.u32 s10, $0x7;
	s6 =	sand.u32 $0x7F, s8;
	s0 =	smul.u32 $0x22000, s0  }
0xa: {  	p0 =	sgt.s32 s8, $0x4380;
	s1 =	sand.u32 $0xFFFFFC00, s1;
	s2 =	sand.u32 $0x380, s2  }
0xb: {  	s27 =	sor.u32 s6, s2;
	s2 =	smov.u32 s8;
	s0 =	sadd.s32 s0, s1  }
0xc: {  	s2 =	simm.s32 @!p0 $0x4380;
	s1 =	sor.u32 s0, s27  }
0xd: {  	s2 =	sadd.s32 s15, s2;
	s28 =	smulhi.u32 $0xF0F0F0F1, s1  }
0xe: {  	s0 =	smulhi.u32 $0xF0F0F0F1, s0;
	s15 =	sadd.s32 $0xFFFFBC80, s2  }
0xf: {  	s2 =	ssub.s32 $0x4400, s2;
	p0 =	sgt.s32 s15, $0x7F;
	s6 =	sshrl.u32 s28, $0xE  }
0x10: {  	s0 =	sshrl.u32 s0, $0xE;
	s2 =	simm.s32 @p0 $0x0;
	s6 =	smul.u32 $0x4400, s6  }
0x11: {  	s29 =	rddreg [dreg:$0x1];
	s0 =	sand.u32 $0x1F, s0;
	s2 =	smul.u32 s2, s14  }
0x12: {  	s30 =	sor.u32 $0x8000, s16;
	s0 =	smul.u32 $0x880, s0;
	s1 =	ssub.s32 s1, s6  }
0x13: {  	s2 =	smul.u32 $0x55, s2;
	s6 =	sshrl.u32 s1, $0x3;
	s1 =	sand.u32 $0x7, s1  }
0x14: {  	s31 =	simm.s32 $0x88000;
	s6 =	sadd.s32 s29, s6;
	s1 =	sshll.u32 s1, $0x12  }
0x15: {  	s2 =	sand.u32 $0x3FFFFFFF, s2;
	s0 =	sadd.s32 s0, s6;
	s1 =	sor.u32 $0x80, s1  }
0x16: {  	[hbm4b:s0+s1] =	stream.strided.scatter [tilespmem:s30], [sflag:$0x2], s2, s31, s1, $0x20;
	[tilespmem:$0x10100] =	vst v63  }
.LBB1_12:
0x17: {  	p0 =	slt.u32 s7, $0x2  }
0x18: {  	s1 =	smov.u32 s13;
	s2 =	smov.u32 s12;
	p1 =	sgt.s32 @!p0 s13, $0x1F  }
0x19: {  	s0 =	sshra.s32 @!p0 s13, $0x1F;
	p2 =	sgt.s32 @!p0 s12, $0x4380;
	s6 =	sshra.s32 @!p0 s12, $0x1F  }
0x1a: {  	p1 =	por !p1, p0;
	s0 =	sand.u32 @!p0 s0, s13;
	p2 =	por !p2, p0  }
0x1b: {  	s6 =	sand.u32 @!p0 s6, s12;
	s1 =	simm.s32 @p1 $0x1F;
	s2 =	simm.s32 @p2 $0x4380  }
0x1c: {  	s0 =	ssub.s32 @!p0 s1, s0;
	s1 =	ssub.s32 @!p0 s2, s6  }
0x1d: {  	s2 =	sadd.s32 @!p0 $0xFFFFFFE1, s0;
	s0 =	ssub.s32 @!p0 $0x20, s0;
	s6 =	sadd.s32 @!p0 $0xFFFFBC80, s1  }
0x1e: {  	p1 =	sgt.s32 @!p0 s2, $0x0;
	s0 =	smul.u32 @!p0 $0x55, s0;
	p2 =	sgt.s32 @!p0 s6, $0x7F  }
0x1f: {  	s1 =	ssub.s32 @!p0 $0x4400, s1;
	p1 =	por !p1, p0;
	p2 =	por !p2, p0  }
0x20: {  	s0 =	simm.s32 @!p1 $0x0;
	s1 =	simm.s32 @!p2 $0x0  }
0x21: {  	s0 =	smul.u32 @!p0 s1, s0;
	s1 =	sadd.s32 $0x80, s9  }
0x22: {  	s14 =	smov.u32 s11;
	s6 =	sadd.s32 $0x20, s11;
	p1 =	sgt.s32 s1, $0x43AF  }
0x23: {  	s14 =	smov.u32 @p1 s6  }
0x24: {  	s7 =	sadd.s32 $0x1, s7;
	s1 =	simm.s32 @p1 $0x0;
	p1 =	sgt.s32 s14, $0x1F  }
0x25: {  	s14 =	smov.u32 @p1 s5;
	p1 =	sne.s32 s7, $0x8A  }
.Ltmp1:
0x26: {  	_ = 	snop;
	(pc) =	sbr.rel @!p1 .LBB1_13-.Ltmp1, $4  }
0x27: {  	s12 =	smov.u32 s8;
	s2 =	simm.s32 @!p0 $0x2;
	s0 =	sand.u32 @!p0 $0x3FFFFFFF, s0  }
0x28: {  	s13 =	smov.u32 s10;
	s8 =	smov.u32 s9;
	_ =	swait.ge @!p0 [sflag:s2], s0  }
0x29: {  	s10 =	smov.u32 s11;
	s0 =	ssub.s32 @!p0 $0x0, s0;
	[sflag:s2] =	ssyncset.done @!p0 $0x0  }
0x2a: {  	s9 =	smov.u32 s1;
	[sflag:s2] =	ssyncadd.s32 @!p0 s0;
	s11 =	smov.u32 s14  }
.LBB1_1:
0x2b: {  	p0 =	sgt.u32 s7, $0x87;
	s1 =	smov.u32 s11  }
0x2c: {  	s15 =	smov.u32 s9;
	p1 =	sgt.s32 @!p0 s11, $0x1F;
	s0 =	sand.u32 @!p0 $0x1FFFFFF, s9  }
0x2d: {  	s14 =	sshra.s32 @!p0 s11, $0x1F;
	s16 =	sshra.s32 @!p0 s9, $0x1F;
	p1 =	por !p1, p0  }
0x2e: {  	s2 =	smulhi.u32 @!p0 $0x7906DB, s0;
	s1 =	simm.s32 @p1 $0x1F;
	p1 =	sgt.s32 @!p0 s9, $0x4330  }
0x2f: {  	s14 =	sand.u32 @!p0 s14, s11;
	s16 =	sand.u32 @!p0 s16, s9;
	p1 =	por !p1, p0  }
0x30: {  	s1 =	ssub.s32 @!p0 s1, s14;
	s2 =	sshrl.u32 @!p0 s2, $0x5;
	s15 =	simm.s32 @p1 $0x4330  }
0x31: {  	s1 =	sadd.s32 @!p0 $0xFFFFFFE1, s1;
	s2 =	smul.u32 @!p0 $0x43B0, s2;
	s14 =	ssub.s32 @!p0 s15, s16  }
0x32: {  	p1 =	sgt.s32 @!p0 s1, $0x0;
	s1 =	sshll.u32 @!p0 s1, $0x7;
	s15 =	sadd.s32 @!p0 $0xFFFFBCD0, s14  }
0x33: {  	s16 =	smul.u32 @!p0 $0x43B00, s11;
	s14 =	ssub.s32 @!p0 $0x43B0, s14;
	p2 =	sgt.s32 @!p0 s15, $0x7F  }
0x34: {  	s1 =	ssub.s32 @!p0 $0x80, s1;
	p1 =	por !p1, p0;
	p2 =	por !p2, p0  }
0x35: {  	s15 =	sxor.u32 @!p0 $0xFFFFFFFF, s7;
	s1 =	simm.s32 @!p1 $0x0;
	s14 =	simm.s32 @!p2 $0x0  }
0x36: {  	s0 =	ssub.s32 @!p0 s0, s2;
	s2 =	sshll.u32 @!p0 s15, $0xE;
	s1 =	smul.u32 @!p0 s14, s1  }
0x37: {  	s0 =	sshll.u32 @!p0 s0, $0x4;
	s2 =	sand.u32 @!p0 $0x4000, s2;
	s14 =	sadd.s32 @!p0 s3, s16  }
0x38: {  	s0 =	sadd.s32 @!p0 s0, s14;
	s14 =	simm.s32 @!p0 $0x0;
	s1 =	sand.u32 @!p0 $0x3FFFFF80, s1  }
0x39: {  	[tilespmem:s2], [sflag:$0x1] =	stream.linear.gather @!p0 [hbm4b:s0+s14], s1, $0x38;
	[tilespmem:$0x10100] =	vst v63  }
0x3a: {  	p0 =	seq.s32 s7, $0x0  }
0x3b: {  	p1 =	seq.s32 @!p0 s7, $0x89  }
0x3c: {  	p0 =	por p0, p1  }
.Ltmp2:
0x3d: {  	_ = 	snop;
	(pc) =	sbr.rel @p0 .LBB1_12-.Ltmp2, $1  }
0x3e: {  	_ =	sdelay $0x3  }
0x3f: {  	p0 =	sgt.s32 s10, $0x1F  }
0x40: {  	s0 =	smov.u32 s10;
	s1 =	sshra.s32 s10, $0x1F;
	s2 =	ssub.s32 $0x0, s8  }
0x41: {  	s14 =	sshra.s32 s8, $0x1F;
	s0 =	simm.s32 @!p0 $0x1F;
	s1 =	sand.u32 s1, s10  }
0x42: {  	s16 =	smov.u32 s8;
	p0 =	sgt.s32 s8, $0x4330;
	s0 =	ssub.s32 s0, s1  }
0x43: {  	s15 =	sand.u32 s2, s14;
	s16 =	simm.s32 @!p0 $0x4330;
	s1 =	sadd.s32 $0xFFFFFFE1, s0  }
0x44: {  	s2 =	sadd.s32 s15, s16;
	s14 =	ssub.s32 $0x20, s0;
	p0 =	sgt.s32 s1, $0x0  }
0x45: {  	s30 =	sadd.s32 $0xFFFFBCD0, s2;
	s0 =	ssub.s32 $0x43B0, s2;
	s1 =	sadd.s32 $0x1, s10  }
0x46: {  	s2 =	sadd.s32 $0x80, s8;
	s14 =	simm.s32 @p0 $0x0;
	p0 =	slt.s32 s1, $0x20  }
0x47: {  	s1 =	simm.s32 @!p0 $0x20;
	p0 =	slt.s32 s2, $0x43B0  }
0x48: {  	p1 =	sgt.s32 s30, $0x7F;
	s17 =	ssub.s32 s1, s10;
	s2 =	simm.s32 @!p0 $0x43B0  }
0x49: {  	s0 =	simm.s32 @p1 $0x0;
	s18 =	ssub.s32 s2, s8;
	p0 =	slt.s32 s17, $0x1  }
0x4a: {  	s0 =	smul.u32 s0, s14;
	p1 =	slt.s32 @!p0 s18, $0x1  }
0x4b: {  	p1 =	por p0, p1  }
.Ltmp3:
0x4c: {  	s0 =	sshll.u32 s0, $0x7;
	(pc) =	sbr.rel @p1 .LBB1_11-.Ltmp3, $4  }
0x4d: {  	s31 =	sand.u32 $0x3FFFFF80, s0  }
0x4e: {  	_ =	swait.ge [sflag:s4], s31  }
0x4f: {  	s0 =	sand.u32 $0x1, s7;
	s1 =	ssub.s32 $0x0, s31;
	[sflag:s4] =	ssyncset.done $0x0  }
0x50: {  	s16 =	smul.u32 $0x4080, s0;
	[sflag:s4] =	ssyncadd.s32 s1  }
0x51: {  	_ = 	snop  }
0x52: {  	s19 =	sshll.u32 @!p0 s0, $0xE;
	s22 =	simm.s32 $0x0;
	s20 =	sor.u32 @!p0 $0x8000, s16  }
.LBB1_4:
0x53: {  	s0 =	sshll.u32 s22, $0x10  }
0x54: {  	s0 =	sshra.s32 s0, $0x2  }
0x55: {  	s0 =	sadd.s32 s0, s19  }
0x56: {  	v0 =	vmov s0;
	_ =	sdelay $0x2  }
0x57: {  	s30 =	sand.u32 $0x7, s22  }
0x58: {  	s31 =	sand.u32 $0x3F80, s21;
	p1 =	sne.s32 s18, $0x1;
	s0 =	smul.u32 $0x204, s30  }
.Ltmp4:
0x59: {  	v11 =	vld.idx.msk [tilespmem:v0+s31+$0x0 ss:$0x1], $0xffff;
	(pc) =	sbr.rel @!p1 .LBB1_5-.Ltmp4, $4  }
0x5a: {  	s1 =	simm.s32 $0x1;
	s0 =	sshrl.u32 s0, $0x2;
	v8 =	vld.idx.msk [tilespmem:v0+s31+$0x10 ss:$0x1], $0xffff  }
0x5b: {  	s2 =	simm.s32 $0x80;
	p0 =	por $0x0, $0x0;
	s28 =	sadd.s32 s0, s20;
	v9 =	vld.idx.msk [tilespmem:v0+s31+$0x20 ss:$0x1], $0xffff  }
0x5c: {  	s0 =	sand.u32 $0x7F, s21;
	s26 =	sadd.s32 $0x810, s28;
	s27 =	sadd.s32 $0x1020, s28;
	v10 =	vld.idx.msk [tilespmem:v0+s31+$0x30 ss:$0x1], $0xffff  }
0x5d: {  	s25 =	sadd.s32 $0x1830, s28;
	s24 =	sadd.s32 $0x2040, s28;
	s23 =	sadd.s32 $0x2850, s28;
	v7 =	vld.idx.msk [tilespmem:v0+s31+$0x40 ss:$0x1], $0xffff  }
0x5e: {  	_ =	sdelay $0x3  }
0x5f: {  	s30 =	sand.u32 $0x3F80, s2;
	s6 =	sadd.s32 s0, s28;
	v1 =	vld.idx.msk [tilespmem:v0+s31+$0x50 ss:$0x1], $0xffff;
	p1 =	sne.s32 s18, $0x2  }
.Ltmp5:
0x60: {  	v2 =	vld.idx.msk [tilespmem:v0+s30+$0x0 ss:$0x1], $0xffff;
	[tilespmem:s6+$0x0 ss:$0x81] =	vst.msk $0xffff, v11;
	s6 =	sadd.s32 s0, s26;
	(pc) =	sbr.rel @!p1 .LBB1_7-.Ltmp5, $4  }
0x61: {  	v3 =	vld.idx.msk [tilespmem:v0+s30+$0x10 ss:$0x1], $0xffff;
	[tilespmem:s6+$0x0 ss:$0x81] =	vst.msk $0xffff, v8;
	s6 =	sadd.s32 s0, s27  }
0x62: {  	v4 =	vld.idx.msk [tilespmem:v0+s30+$0x20 ss:$0x1], $0xffff;
	[tilespmem:s6+$0x0 ss:$0x81] =	vst.msk $0xffff, v9;
	s6 =	sadd.s32 s0, s25  }
0x63: {  	s31 =	simm.s32 $0x2;
	s29 =	sand.u32 $0x7F, s1;
	v5 =	vld.idx.msk [tilespmem:v0+s30+$0x30 ss:$0x1], $0xffff;
	[tilespmem:s6+$0x0 ss:$0x81] =	vst.msk $0xffff, v10;
	s6 =	sadd.s32 s0, s24  }
0x64: {  	s1 =	simm.s32 $0x100;
	s2 =	sadd.s32 s0, s23;
	p0 =	por $0x1, $0x1;
	v6 =	vld.idx.msk [tilespmem:v0+s30+$0x40 ss:$0x1], $0xffff;
	[tilespmem:s6+$0x0 ss:$0x81] =	vst.msk $0xffff, v7  }
.LBB1_8:
0x65: {  	s6 =	smov.u32 s31;
	s31 =	sadd.s32 $0x1, s31  }
0x66: {  	s0 =	sadd.s32 s29, s28;
	[tilespmem:s2+$0x0 ss:$0x81] =	vst.msk $0xffff, v1;
	v1 =	vld.idx.msk [tilespmem:v0+s30+$0x50 ss:$0x1], $0xffff;
	s30 =	sand.u32 $0x3F80, s1;
	p1 =	sne.s32 s18, s31  }
.Ltmp6:
0x67: {  	[tilespmem:s0+$0x0 ss:$0x81] =	vst.msk $0xffff, v2;
	v2 =	vld.idx.msk [tilespmem:v0+s30+$0x0 ss:$0x1], $0xffff;
	s0 =	sadd.s32 s29, s26;
	(pc) =	sbr.rel @p1 .LBB1_8-.Ltmp6, $4  }
0x68: {  	[tilespmem:s0+$0x0 ss:$0x81] =	vst.msk $0xffff, v3;
	v3 =	vld.idx.msk [tilespmem:v0+s30+$0x10 ss:$0x1], $0xffff;
	s0 =	sadd.s32 s29, s27  }
0x69: {  	[tilespmem:s0+$0x0 ss:$0x81] =	vst.msk $0xffff, v4;
	v4 =	vld.idx.msk [tilespmem:v0+s30+$0x20 ss:$0x1], $0xffff;
	s0 =	sadd.s32 s29, s25  }
0x6a: {  	[tilespmem:s0+$0x0 ss:$0x81] =	vst.msk $0xffff, v5;
	v5 =	vld.idx.msk [tilespmem:v0+s30+$0x30 ss:$0x1], $0xffff;
	s0 =	sadd.s32 s29, s24  }
0x6b: {  	s1 =	sadd.s32 $0x80, s1;
	s2 =	sadd.s32 s29, s23;
	s29 =	sand.u32 $0x7F, s6;
	[tilespmem:s0+$0x0 ss:$0x81] =	vst.msk $0xffff, v6;
	v6 =	vld.idx.msk [tilespmem:v0+s30+$0x40 ss:$0x1], $0xffff  }
0x6c: {  	_ =	sdelay $0x3  }
0x6d: {  	s0 =	smov.u32 s29;
	s31 =	smov.u32 s30;
	v11 =	vmovc v2;
	v8 =	vmovc v3;
	v9 =	vmov v4;
	v10 =	vmov v5;
	v7 =	vmov v6  }
.LBB1_10:
0x6e: {  	_ =	sdelay $0x2  }
0x6f: {  	s1 =	sadd.s32 s0, s28;
	[tilespmem:s2+$0x0 ss:$0x81] =	vst.msk @p0 $0xffff, v1;
	s22 =	sadd.s32 $0x1, s22  }
0x70: {  	v0 =	vld.idx.msk [tilespmem:v0+s31+$0x50 ss:$0x1], $0xffff;
	s26 =	sadd.s32 s0, s26;
	[tilespmem:s1+$0x0 ss:$0x81] =	vst.msk $0xffff, v11;
	p0 =	sne.s32 s22, s17  }
.Ltmp7:
0x71: {  	s28 =	sadd.s32 s0, s27;
	[tilespmem:s26+$0x0 ss:$0x81] =	vst.msk $0xffff, v8;
	(pc) =	sbr.rel @p0 .LBB1_4-.Ltmp7, $4  }
.Ltmp8:
0x72: {  	s29 =	sadd.s32 s0, s25;
	[tilespmem:s28+$0x0 ss:$0x81] =	vst.msk $0xffff, v9;
	(pc) =	sbr.rel @!p0 .LBB1_11-.Ltmp8, $4  }
0x73: {  	s30 =	sadd.s32 s0, s24;
	[tilespmem:s29+$0x0 ss:$0x81] =	vst.msk $0xffff, v10  }
0x74: {  	s31 =	sadd.s32 s0, s23;
	[tilespmem:s30+$0x0 ss:$0x81] =	vst.msk $0xffff, v7  }
0x75: {  	[tilespmem:s31+$0x0 ss:$0x81] =	vst.msk $0xffff, v0  }
0x76: {  	_ = 	snop  }
.LBB1_5:
.Ltmp9:
0x77: {  	(pc) =	sbr.rel .LBB1_10-.Ltmp9, $2  }
0x78: {  	_ =	sdelay $0x2  }
0x79: {  	_ = 	snop  }
.LBB1_7:
.Ltmp10:
0x7a: {  	_ = 	snop;
	(pc) =	sbr.rel .LBB1_10-.Ltmp10, $2  }
0x7b: {  	_ =	sdelay $0x2  }
0x7c: {  	s0 =	smov.u32 s29;
	s31 =	smov.u32 s30;
	v11 =	vmovc v2;
	v8 =	vmovc v3;
	v9 =	vmov v4;
	v10 =	vmov v5;
	v7 =	vmov v6  }
.LBB1_13:
0x7d: {  	_ =	sfence.sel $0x180000  }
0x7e: {  	s0 =	simm.s32 $0x1;
	[bflag:$0x0] =	sbarrier.arrive $0xFFFF  }
0x7f: {  	s30 =	simm.s32 $0x2;
	[sflag:s0] =	ssyncpa.u1 $0x1  }
0x80: {  	[sflag:s30] =	ssyncpa.u1 $0x1  }
0x81: {  	_ =	strace $0x90000047  }
0x82: {  	s31 =	stileid.u32;
	[bflag:$0x2] =	sbarrier.arrive $0xFFFF  }
0x83: {  	p0 =	sne.s32 s31, $0x0;
	s0 =	rddreg [dreg:$0x2]  }
0x84: {  	s0 =	sadd.s32 @!p0 $0x100000, s0  }
0x85: {  	[sflag:s0] =	ssyncadd.tile.s32 @!p0 $0x1;
	_ =	shalt  }
.Lfunc_end1:
_tile_overlayer_lowered:
.L_overlay_start_2:
0x86: {  	(tag) =	ssettag $0x2  }
0x87: {  	s0 =	rddreg [dreg:$0x0];
	s2 =	stileid.u32  }
0x88: {  	s1 =	rddreg [dreg:$0x1];
	p0 =	sne.s32 s2, $0x0  }
0x89: {  	s3 =	rddreg [dreg:$0x2];
	[bflag:$0x3] =	sbarrier.arrive $0xFFFF;
	s2 =	simm.s32 @!p0 $0x1C01  }
0x8a: {  	[timem:s3], [sflag:s2] =	dma.local @!p0 [hbm:s0], s1  }
0x8b: {  	s0 =	simm.s32 @!p0 $0x1  }
0x8c: {  	_ =	swait.ge @!p0 [sflag:s0], s1  }
0x8d: {  	s1 =	ssub.s32 @!p0 $0x0, s1;
	[sflag:s0] =	ssyncset.done @!p0 $0x0  }
0x8e: {  	[sflag:s0] =	ssyncadd.s32 @!p0 s1  }
0x8f: {  	[bflag:$0x3] =	sbarrier.arrive $0xFFFF  }
0x90: {  	_ =	shalt  }

</sc_bundles>
